<compile_context>
chip_gen: v7x
topology: tpu7x:2x2x1
jax: 0.10.2.dev20260603
libtpu: 0.0.44.dev20260713+nightly
codegen_flags: <defaults>
</compile_context>

<pallas_src>
import jax
import jax.numpy as jnp
from jax import lax
from jax.experimental import pallas as pl
from jax.experimental.pallas import tpu as pltpu
from jax.experimental.pallas import tpu_sc as plsc

_N = 16384
_LANES = 16
_NC = 1
_NS = plsc.get_sparse_core_info().num_subcores
_CHUNK = _N // (_NC * _NS)


def _lookup_body(in_hbm, out_hbm, buf):
    wid = lax.axis_index("s") * _NC + lax.axis_index("c")
    base = wid * _CHUNK
    pltpu.sync_copy(in_hbm.at[pl.ds(base, _CHUNK)], buf)

    def step(i, carry):
        x = buf[pl.ds(i * _LANES, _LANES)]
        hit = (x >= 1) & (x <= 4)
        buf[pl.ds(i * _LANES, _LANES)] = jnp.where(hit, 5 - x, -1)
        return carry

    lax.fori_loop(0, _CHUNK // _LANES, step, 0, unroll=4)
    pltpu.sync_copy(buf, out_hbm.at[pl.ds(base, _CHUNK)])


def kernel(input):
    x = input.astype(jnp.int32)
    sc_call = pl.kernel(
        _lookup_body,
        out_type=jax.ShapeDtypeStruct((_N,), jnp.int32),
        mesh=plsc.VectorSubcoreMesh(
            core_axis_name="c", subcore_axis_name="s", num_cores=_NC
        ),
        scratch_types=[pltpu.VMEM((_CHUNK,), jnp.int32)],
    )
    return sc_call(x).astype(input.dtype)

# --- scband reference (transcript-rebuilt; emitter-appended) ---
"""Pipeline reference for scband-my-model-87522843560216 (READ-ONLY COPY).

The authoritative reference and input builder live on the scoring server;
editing this copy changes nothing except your own understanding.
"""

import jax, jax.numpy as jnp
import numpy as np

# Static hash-table contents from the module's __init__:
# keys [1,2,3,4] -> values [4,3,2,1], default -1
_KEYS = jnp.array([1, 2, 3, 4], dtype=jnp.int64)
_VALS = jnp.array([4, 3, 2, 1], dtype=jnp.int64)
_DEFAULT = jnp.int64(-1)


def setup_inputs(seed: int = 0) -> dict:
    key = jax.random.key(seed)
    inp = jax.random.randint(key, (16384,), 0, 8, dtype=jnp.int64)
    return {"input": inp}


def reference(input) -> jnp.ndarray:
    # DenseHashTable.lookup: for each query, return mapped value if key present, else default (-1).
    # Implemented as a gather over a match mask (keys are unique).
    match = input[:, None] == _KEYS[None, :]            # [B, 4] bool
    hit = jnp.any(match, axis=-1)                        # [B]
    gathered = jnp.sum(match.astype(jnp.int64) * _VALS[None, :], axis=-1)  # [B]
    return jnp.where(hit, gathered, _DEFAULT)

if __name__ == "__main__":
    import jax
    _d = setup_inputs()
    print(jax.jit(kernel)(*tuple(_d.values())))

</pallas_src>

<mosaic_0001>
#map = affine_map<(d0, d1) -> (0)>
module attributes {stable_mosaic.version = 14 : i64} {
  func.func @_lookup_body(%arg0: i32, %arg1: i32, %arg2: memref<16384xi32, #tpu.memory_space<hbm>>, %arg3: memref<16384xi32, #tpu.memory_space<hbm>>, %arg4: memref<1024xi32, #tpu.memory_space<vmem>>) attributes {dimension_semantics = [#tpu.dimension_semantics<core_parallel>, #tpu.dimension_semantics<subcore_parallel>], iteration_bounds = array<i64: 1, 16>, scalar_prefetch = 0 : i64, scratch_operands = 1 : i64, tpu.core_type = #tpu.core_type<sc_vector_subcore>, window_params = [{transform_indices = #map}, {transform_indices = #map}]} {
    %mul3A = arith.constant 1 : i32
    %mul3A_0 = arith.muli %arg1, %mul3A : i32
    %add3A = arith.addi %mul3A_0, %arg0 : i32
    %mul3A_1 = arith.constant 1024 : i32
    %mul3A_2 = arith.muli %add3A, %mul3A_1 : i32
    "tpu.region"() ({
      %run_scoped3A = tpu.sem_alloc : memref<!tpu.dma_semaphore, #tpu.memory_space<semaphore_mem>>
      %dma_start3A = tpu.memref_slice %arg2[%mul3A_2] : memref<16384xi32, #tpu.memory_space<hbm>> -> memref<1024xi32, #tpu.memory_space<hbm>>
      %dma_start3A_8 = tpu.memref_slice %arg2[%mul3A_2] : memref<16384xi32, #tpu.memory_space<hbm>> -> memref<1024xi32, #tpu.memory_space<hbm>>
      tpu.enqueue_dma source(%dma_start3A_8 : memref<1024xi32, #tpu.memory_space<hbm>>) target(%arg4 : memref<1024xi32, #tpu.memory_space<vmem>>) target_semaphore(%run_scoped3A : memref<!tpu.dma_semaphore, #tpu.memory_space<semaphore_mem>>)
      %dma_wait3A = tpu.memref_slice %arg2[%mul3A_2] : memref<16384xi32, #tpu.memory_space<hbm>> -> memref<1024xi32, #tpu.memory_space<hbm>>
      %dma_wait3A_9 = tpu.memref_slice %arg2[%mul3A_2] : memref<16384xi32, #tpu.memory_space<hbm>> -> memref<1024xi32, #tpu.memory_space<hbm>>
      tpu.wait_dma2 semaphore(%run_scoped3A : memref<!tpu.dma_semaphore, #tpu.memory_space<semaphore_mem>>) src(%dma_wait3A_9 : memref<1024xi32, #tpu.memory_space<hbm>>) dst(%arg4 : memref<1024xi32, #tpu.memory_space<vmem>>)
      tpu.yield
    }) : () -> ()
    %scan3A = arith.constant 0 : i32
    %scan3A_3 = arith.constant 0 : i32
    %scan3A_4 = arith.constant 64 : i32
    %scan3A_5 = arith.addi %scan3A_3, %scan3A_4 : i32
    %scan3A_6 = arith.constant 4 : i32
    scf.for %scan3A_8 = %scan3A_3 to %scan3A_5 step %scan3A_6  : i32 {
      %mul3A_9 = arith.constant 16 : i32
      %mul3A_10 = arith.muli %scan3A_8, %mul3A_9 : i32
      %get3A = arith.index_cast %mul3A_10 : i32 to index
      %get3A_11 = tpu.vector_load %arg4[%get3A] {strides = array<i32>} : memref<1024xi32, #tpu.memory_space<vmem>>, vector<16xi32>,
      %get3A_12 = vector.shape_cast %get3A_11 : vector<16xi32> to vector<16xi32>
      %ge3A = arith.constant 1 : i32
      %ge3A_13 = vector.broadcast %ge3A : i32 to vector<16xi32>
      %ge3A_14 = arith.cmpi sge, %get3A_12, %ge3A_13 : vector<16xi32>
      %le3A = arith.constant 4 : i32
      %le3A_15 = vector.broadcast %le3A : i32 to vector<16xi32>
      %le3A_16 = arith.cmpi sle, %get3A_12, %le3A_15 : vector<16xi32>
      %and3A = arith.andi %ge3A_14, %le3A_16 : vector<16xi1>
      %sub3A = arith.constant 5 : i32
      %sub3A_17 = vector.broadcast %sub3A : i32 to vector<16xi32>
      %sub3A_18 = arith.subi %sub3A_17, %get3A_12 : vector<16xi32>
      %jit3A = arith.constant -1 : i32
      %broadcast_in_dim3A = vector.broadcast %jit3A : i32 to vector<16xi32>
      %select_n3A = arith.select %and3A, %sub3A_18, %broadcast_in_dim3A : vector<16xi1>, vector<16xi32>
      %mul3A_19 = arith.constant 16 : i32
      %mul3A_20 = arith.muli %scan3A_8, %mul3A_19 : i32
      %swap3A = arith.index_cast %mul3A_20 : i32 to index
      %swap3A_21 = tpu.vector_load %arg4[%swap3A] {strides = array<i32>} : memref<1024xi32, #tpu.memory_space<vmem>>, vector<16xi32>,
      %swap3A_22 = vector.shape_cast %swap3A_21 : vector<16xi32> to vector<16xi32>
      %swap3A_23 = vector.shape_cast %select_n3A : vector<16xi32> to vector<16xi32>
      tpu.vector_store %arg4[%swap3A], %swap3A_23 {strides = array<i32>} : memref<1024xi32, #tpu.memory_space<vmem>>, vector<16xi32>,
      %scan3A_24 = arith.constant 1 : i32
      %scan3A_25 = arith.addi %scan3A_8, %scan3A_24 : i32
      %mul3A_26 = arith.constant 16 : i32
      %mul3A_27 = arith.muli %scan3A_25, %mul3A_26 : i32
      %get3A_28 = arith.index_cast %mul3A_27 : i32 to index
      %get3A_29 = tpu.vector_load %arg4[%get3A_28] {strides = array<i32>} : memref<1024xi32, #tpu.memory_space<vmem>>, vector<16xi32>,
      %get3A_30 = vector.shape_cast %get3A_29 : vector<16xi32> to vector<16xi32>
      %ge3A_31 = arith.constant 1 : i32
      %ge3A_32 = vector.broadcast %ge3A_31 : i32 to vector<16xi32>
      %ge3A_33 = arith.cmpi sge, %get3A_30, %ge3A_32 : vector<16xi32>
      %le3A_34 = arith.constant 4 : i32
      %le3A_35 = vector.broadcast %le3A_34 : i32 to vector<16xi32>
      %le3A_36 = arith.cmpi sle, %get3A_30, %le3A_35 : vector<16xi32>
      %and3A_37 = arith.andi %ge3A_33, %le3A_36 : vector<16xi1>
      %sub3A_38 = arith.constant 5 : i32
      %sub3A_39 = vector.broadcast %sub3A_38 : i32 to vector<16xi32>
      %sub3A_40 = arith.subi %sub3A_39, %get3A_30 : vector<16xi32>
      %jit3A_41 = arith.constant -1 : i32
      %broadcast_in_dim3A_42 = vector.broadcast %jit3A_41 : i32 to vector<16xi32>
      %select_n3A_43 = arith.select %and3A_37, %sub3A_40, %broadcast_in_dim3A_42 : vector<16xi1>, vector<16xi32>
      %mul3A_44 = arith.constant 16 : i32
      %mul3A_45 = arith.muli %scan3A_25, %mul3A_44 : i32
      %swap3A_46 = arith.index_cast %mul3A_45 : i32 to index
      %swap3A_47 = tpu.vector_load %arg4[%swap3A_46] {strides = array<i32>} : memref<1024xi32, #tpu.memory_space<vmem>>, vector<16xi32>,
      %swap3A_48 = vector.shape_cast %swap3A_47 : vector<16xi32> to vector<16xi32>
      %swap3A_49 = vector.shape_cast %select_n3A_43 : vector<16xi32> to vector<16xi32>
      tpu.vector_store %arg4[%swap3A_46], %swap3A_49 {strides = array<i32>} : memref<1024xi32, #tpu.memory_space<vmem>>, vector<16xi32>,
      %scan3A_50 = arith.constant 2 : i32
      %scan3A_51 = arith.addi %scan3A_8, %scan3A_50 : i32
      %mul3A_52 = arith.constant 16 : i32
      %mul3A_53 = arith.muli %scan3A_51, %mul3A_52 : i32
      %get3A_54 = arith.index_cast %mul3A_53 : i32 to index
      %get3A_55 = tpu.vector_load %arg4[%get3A_54] {strides = array<i32>} : memref<1024xi32, #tpu.memory_space<vmem>>, vector<16xi32>,
      %get3A_56 = vector.shape_cast %get3A_55 : vector<16xi32> to vector<16xi32>
      %ge3A_57 = arith.constant 1 : i32
      %ge3A_58 = vector.broadcast %ge3A_57 : i32 to vector<16xi32>
      %ge3A_59 = arith.cmpi sge, %get3A_56, %ge3A_58 : vector<16xi32>
      %le3A_60 = arith.constant 4 : i32
      %le3A_61 = vector.broadcast %le3A_60 : i32 to vector<16xi32>
      %le3A_62 = arith.cmpi sle, %get3A_56, %le3A_61 : vector<16xi32>
      %and3A_63 = arith.andi %ge3A_59, %le3A_62 : vector<16xi1>
      %sub3A_64 = arith.constant 5 : i32
      %sub3A_65 = vector.broadcast %sub3A_64 : i32 to vector<16xi32>
      %sub3A_66 = arith.subi %sub3A_65, %get3A_56 : vector<16xi32>
      %jit3A_67 = arith.constant -1 : i32
      %broadcast_in_dim3A_68 = vector.broadcast %jit3A_67 : i32 to vector<16xi32>
      %select_n3A_69 = arith.select %and3A_63, %sub3A_66, %broadcast_in_dim3A_68 : vector<16xi1>, vector<16xi32>
      %mul3A_70 = arith.constant 16 : i32
      %mul3A_71 = arith.muli %scan3A_51, %mul3A_70 : i32
      %swap3A_72 = arith.index_cast %mul3A_71 : i32 to index
      %swap3A_73 = tpu.vector_load %arg4[%swap3A_72] {strides = array<i32>} : memref<1024xi32, #tpu.memory_space<vmem>>, vector<16xi32>,
      %swap3A_74 = vector.shape_cast %swap3A_73 : vector<16xi32> to vector<16xi32>
      %swap3A_75 = vector.shape_cast %select_n3A_69 : vector<16xi32> to vector<16xi32>
      tpu.vector_store %arg4[%swap3A_72], %swap3A_75 {strides = array<i32>} : memref<1024xi32, #tpu.memory_space<vmem>>, vector<16xi32>,
      %scan3A_76 = arith.constant 3 : i32
      %scan3A_77 = arith.addi %scan3A_8, %scan3A_76 : i32
      %mul3A_78 = arith.constant 16 : i32
      %mul3A_79 = arith.muli %scan3A_77, %mul3A_78 : i32
      %get3A_80 = arith.index_cast %mul3A_79 : i32 to index
      %get3A_81 = tpu.vector_load %arg4[%get3A_80] {strides = array<i32>} : memref<1024xi32, #tpu.memory_space<vmem>>, vector<16xi32>,
      %get3A_82 = vector.shape_cast %get3A_81 : vector<16xi32> to vector<16xi32>
      %ge3A_83 = arith.constant 1 : i32
      %ge3A_84 = vector.broadcast %ge3A_83 : i32 to vector<16xi32>
      %ge3A_85 = arith.cmpi sge, %get3A_82, %ge3A_84 : vector<16xi32>
      %le3A_86 = arith.constant 4 : i32
      %le3A_87 = vector.broadcast %le3A_86 : i32 to vector<16xi32>
      %le3A_88 = arith.cmpi sle, %get3A_82, %le3A_87 : vector<16xi32>
      %and3A_89 = arith.andi %ge3A_85, %le3A_88 : vector<16xi1>
      %sub3A_90 = arith.constant 5 : i32
      %sub3A_91 = vector.broadcast %sub3A_90 : i32 to vector<16xi32>
      %sub3A_92 = arith.subi %sub3A_91, %get3A_82 : vector<16xi32>
      %jit3A_93 = arith.constant -1 : i32
      %broadcast_in_dim3A_94 = vector.broadcast %jit3A_93 : i32 to vector<16xi32>
      %select_n3A_95 = arith.select %and3A_89, %sub3A_92, %broadcast_in_dim3A_94 : vector<16xi1>, vector<16xi32>
      %mul3A_96 = arith.constant 16 : i32
      %mul3A_97 = arith.muli %scan3A_77, %mul3A_96 : i32
      %swap3A_98 = arith.index_cast %mul3A_97 : i32 to index
      %swap3A_99 = tpu.vector_load %arg4[%swap3A_98] {strides = array<i32>} : memref<1024xi32, #tpu.memory_space<vmem>>, vector<16xi32>,
      %swap3A_100 = vector.shape_cast %swap3A_99 : vector<16xi32> to vector<16xi32>
      %swap3A_101 = vector.shape_cast %select_n3A_95 : vector<16xi32> to vector<16xi32>
      tpu.vector_store %arg4[%swap3A_98], %swap3A_101 {strides = array<i32>} : memref<1024xi32, #tpu.memory_space<vmem>>, vector<16xi32>,
    }
    %scan3A_7 = arith.constant 64 : i32
    "tpu.region"() ({
      %run_scoped3A = tpu.sem_alloc : memref<!tpu.dma_semaphore, #tpu.memory_space<semaphore_mem>>
      %dma_start3A = tpu.memref_slice %arg3[%mul3A_2] : memref<16384xi32, #tpu.memory_space<hbm>> -> memref<1024xi32, #tpu.memory_space<hbm>>
      %dma_start3A_8 = tpu.memref_slice %arg3[%mul3A_2] : memref<16384xi32, #tpu.memory_space<hbm>> -> memref<1024xi32, #tpu.memory_space<hbm>>
      tpu.enqueue_dma source(%arg4 : memref<1024xi32, #tpu.memory_space<vmem>>) target(%dma_start3A_8 : memref<1024xi32, #tpu.memory_space<hbm>>) target_semaphore(%run_scoped3A : memref<!tpu.dma_semaphore, #tpu.memory_space<semaphore_mem>>)
      %dma_wait3A = tpu.memref_slice %arg3[%mul3A_2] : memref<16384xi32, #tpu.memory_space<hbm>> -> memref<1024xi32, #tpu.memory_space<hbm>>
      %dma_wait3A_9 = tpu.memref_slice %arg3[%mul3A_2] : memref<16384xi32, #tpu.memory_space<hbm>> -> memref<1024xi32, #tpu.memory_space<hbm>>
      tpu.wait_dma2 semaphore(%run_scoped3A : memref<!tpu.dma_semaphore, #tpu.memory_space<semaphore_mem>>) src(%arg4 : memref<1024xi32, #tpu.memory_space<vmem>>) dst(%dma_wait3A_9 : memref<1024xi32, #tpu.memory_space<hbm>>)
      tpu.yield
    }) : () -> ()
    return
  }
}

</mosaic_0001>

<sc_bundles>
// kernel: kernel.3.cloned.1.call-start
scs
__scs_entry_jumppad:
0x0: {  	(pc) =	sbr.rel $0x88, $3  }
0x1: {  	(tag) =	ssettag $0x0;
	lr =	simm.s32 $0x1  }
0x2: {  	[smem:$0x3FA0] =	sst lr;
	_ =	strace $0xD0000000  }
0x3: {  	_ = 	snop  }
0x4: {  	_ = 	snop  }
0x5: {  	_ = 	snop  }
0x6: {  	_ = 	snop  }
0x7: {  	_ = 	snop  }
__scs_overlays_trampoline_lowered:
0x8: {  	[smem:$0x3FAF] =	sst s0  }
0x9: {  	[smem:$0x3FB0] =	sst s1  }
0xa: {  	[smem:$0x3FB1] =	sst s2  }
0xb: {  	[smem:$0x3FB2] =	sst s3  }
0xc: {  	[smem:$0x3FB3] =	sst s4  }
0xd: {  	[smem:$0x3FB4] =	sst s5  }
0xe: {  	[smem:$0x3FB5] =	sst s6  }
0xf: {  	[smem:$0x3FB6] =	sst s7  }
0x10: {  	[smem:$0x3FB7] =	sst s8  }
0x11: {  	[smem:$0x3FB8] =	sst s9;
	s0 =	simm.s32 @!p0 $0x0  }
0x12: {  	s1 =	sld [smem:$0x3F9E];
	s0 =	simm.s32 @p0 $0x1  }
0x13: {  	[smem:$0x3FB9] =	sst s0;
	s0 =	simm.s32 @!p1 $0x0  }
0x14: {  	s2 =	sld [smem:$0x3F9D];
	s0 =	simm.s32 @p1 $0x1  }
0x15: {  	[smem:$0x3FBA] =	sst s0;
	s0 =	simm.s32 @!p2 $0x0  }
0x16: {  	s3 =	sld [smem:$0x3FDB];
	s0 =	simm.s32 @p2 $0x1  }
0x17: {  	s4 =	simm.s32 $0x1BF5;
	[smem:$0x3FBC] =	sst s0  }
0x18: {  	s0 =	sld [smem:$0x3F9F];
	_ =	swait.ge [sflag:s4], $0x0  }
0x19: {  	s7 =	sld [smem:$0x3FA0]  }
0x1a: {  	s8 =	sadd.s32 $0xFFFFE003, lr  }
0x1b: {  	s9 =	sadd.s32 $0xFFFFFEF7, lr;
	s5 =	simm.s32 $0xFFFFFFFF;
	p2 =	slt.u32 s8, $0xFFFFF086  }
0x1c: {  	p1 =	slt.u32 s9, $0xF7A;
	s5 =	simm.s32 @!p2 $0x0  }
0x1d: {  	s5 =	simm.s32 @p1 $0x1;
	p0 =	seq.s32 s7, s2  }
0x1e: {  	s7 =	smul.u32 @!p0 $0xF7A, s2;
	p2 =	seq.s32 @!p0 s5, $0x0  }
0x1f: {  	s9 =	smul.u32 $0xF7A, s1;
	s8 =	simm.s32 @!p0 $0x1BF5;
	p2 =	por !p2, p0  }
0x20: {  	[sflag:s8] =	ssyncset.s32 @!p0 $0xFFFFF086;
	s6 =	sadd.s32 @!p0 s3, s7;
	s7 =	simm.s32 @!p0 $0x108  }
0x21: {  	s3 =	sadd.s32 s3, s9;
	s6 =	sadd.s32 @!p0 $0x88, s6;
	s7 =	simm.s32 @p2 $0x1082  }
0x22: {  	[simem:s7], [sflag:s8] =	dma.local @!p0 [hbm:s6], $0xF7A  }
0x23: {  	s9 =	sor.u32 $0xD0000000, s2;
	s6 =	simm.s32 $0x108;
	_ =	swait.ge @!p0 [sflag:s8], $0x0  }
0x24: {  	s3 =	sadd.s32 $0x88, s3;
	s6 =	simm.s32 @!p1 $0x1082;
	[sflag:s4] =	ssyncset.s32 $0xFFFFF086  }
0x25: {  	[simem:s6], [sflag:s4] =	dma.local [hbm:s3], $0xF7A  }
0x26: {  	[smem:$0x3FA0] =	sst s1;
	(tag) =	ssettag s2;
	_ =	strace s9  }
0x27: {  	s1 =	sld [smem:$0x3FB0]  }
0x28: {  	s2 =	sld [smem:$0x3FB1]  }
0x29: {  	s4 =	sld [smem:$0x3FB3]  }
0x2a: {  	p0 =	seq.s32 s5, $0x0;
	s5 =	sld [smem:$0x3FB4]  }
0x2b: {  	s6 =	sld [smem:$0x3FB5]  }
0x2c: {  	s7 =	sld [smem:$0x3FB6]  }
0x2d: {  	s3 =	simm.s32 $0x108;
	s8 =	sld [smem:$0x3FB7]  }
0x2e: {  	s3 =	simm.s32 @!p0 $0x1082;
	s9 =	sld [smem:$0x3FB8]  }
0x2f: {  	lr =	sadd.s32 s0, s3;
	s0 =	sld [smem:$0x3FAF]  }
0x30: {  	s3 =	sld [smem:$0x3FB2]  }
0x31: {  	[smem:$0x3FBB] =	sst s10  }
0x32: {  	s10 =	sld [smem:$0x3FB9];
	_ =	sdelay $0x3  }
0x33: {  	p0 =	seq.s32 s10, $0x1;
	s10 =	sld [smem:$0x3FBB];
	_ =	sdelay $0x3  }
0x34: {  	[smem:$0x3FBB] =	sst s10  }
0x35: {  	s10 =	sld [smem:$0x3FBA];
	_ =	sdelay $0x3  }
0x36: {  	p1 =	seq.s32 s10, $0x1;
	s10 =	sld [smem:$0x3FBB];
	_ =	sdelay $0x3  }
0x37: {  	[smem:$0x3FBB] =	sst s10  }
0x38: {  	s10 =	sld [smem:$0x3FBC]  }
0x39: {  	_ = 	snop;
	(pc) =	sbr.ind lr, $3  }
0x3a: {  	_ = 	snop  }
0x3b: {  	_ = 	snop  }
0x3c: {  	p2 =	seq.s32 s10, $0x1;
	s10 =	sld [smem:$0x3FBB]  }
0x3d: {  	_ =	shalt  }
0x3e: {  	_ =	shalt  }
0x3f: {  	_ =	shalt  }
0x40: {  	_ =	shalt  }
0x41: {  	_ =	shalt  }
0x42: {  	_ =	shalt  }
0x43: {  	_ =	shalt  }
0x44: {  	_ =	shalt  }
0x45: {  	_ =	shalt  }
0x46: {  	_ =	shalt  }
0x47: {  	_ =	shalt  }
0x48: {  	_ =	shalt  }
0x49: {  	_ =	shalt  }
0x4a: {  	_ =	shalt  }
0x4b: {  	_ =	shalt  }
0x4c: {  	_ =	shalt  }
0x4d: {  	_ =	shalt  }
0x4e: {  	_ =	shalt  }
0x4f: {  	_ =	shalt  }
0x50: {  	_ =	shalt  }
0x51: {  	_ =	shalt  }
0x52: {  	_ =	shalt  }
0x53: {  	_ =	shalt  }
0x54: {  	_ =	shalt  }
0x55: {  	_ =	shalt  }
0x56: {  	_ =	shalt  }
0x57: {  	_ =	shalt  }
0x58: {  	_ =	shalt  }
0x59: {  	_ =	shalt  }
0x5a: {  	_ =	shalt  }
0x5b: {  	_ =	shalt  }
0x5c: {  	_ =	shalt  }
0x5d: {  	_ =	shalt  }
0x5e: {  	_ =	shalt  }
0x5f: {  	_ =	shalt  }
0x60: {  	_ =	shalt  }
0x61: {  	_ =	shalt  }
0x62: {  	_ =	shalt  }
0x63: {  	_ =	shalt  }
0x64: {  	_ =	shalt  }
0x65: {  	_ =	shalt  }
0x66: {  	_ =	shalt  }
0x67: {  	_ =	shalt  }
0x68: {  	_ =	shalt  }
0x69: {  	_ =	shalt  }
0x6a: {  	_ =	shalt  }
0x6b: {  	_ =	shalt  }
0x6c: {  	_ =	shalt  }
0x6d: {  	_ =	shalt  }
0x6e: {  	_ =	shalt  }
0x6f: {  	_ =	shalt  }
0x70: {  	_ =	shalt  }
0x71: {  	_ =	shalt  }
0x72: {  	_ =	shalt  }
0x73: {  	_ =	shalt  }
0x74: {  	_ =	shalt  }
0x75: {  	_ =	shalt  }
0x76: {  	_ =	shalt  }
0x77: {  	_ =	shalt  }
0x78: {  	_ =	shalt  }
0x79: {  	_ =	shalt  }
0x7a: {  	_ =	shalt  }
0x7b: {  	_ =	shalt  }
0x7c: {  	_ =	shalt  }
0x7d: {  	_ =	shalt  }
0x7e: {  	_ =	shalt  }
0x7f: {  	_ =	shalt  }
0x80: {  	_ =	shalt  }
0x81: {  	_ =	shalt  }
0x82: {  	_ =	shalt  }
0x83: {  	_ =	shalt  }
0x84: {  	_ =	shalt  }
0x85: {  	_ =	shalt  }
0x86: {  	_ =	shalt  }
0x87: {  	_ =	shalt  }
.Lfunc_end0:
.L_simem_size_0:
called_computation_lowered:
.L_overlay_start_0:
0x88: {  	s0 =	sld [smem:$0x3FD9]  }
0x89: {  	s1 =	sld [smem:$0x3FFE];
	_ =	sdelay $0x3  }
0x8a: {  	s0 =	sadd.s32 s1, s0  }
0x8b: {  	[smem:$0x3FC7] =	sst s0  }
0x8c: {  	_ = 	snop  }
0x8d: {  	s0 =	sld [smem:$0x3FC9]  }
0x8e: {  	s17 =	sld [smem:$0x3FD0];
	(tm) =	ssettm $0x1  }
0x8f: {  	s2 =	sld [smem:$0x3FFB];
	_ =	sdelay $0x3  }
0x90: {  	_ =	strace s2  }
0x91: {  	s2 =	sld [smem:$0x3FFC];
	_ =	sdelay $0x3  }
0x92: {  	_ =	strace s2  }
0x93: {  	s2 =	sld [smem:$0x3FFD];
	_ =	sdelay $0x3  }
0x94: {  	_ =	strace s2  }
0x95: {  	_ =	strace $0x8FFFFFFF  }
0x96: {  	s18 =	sld [smem:$0x3FDB];
	_ =	sdelay $0x1  }
0x97: {  	s3 =	simm.s32 $_scs_section_size  }
0x98: {  	s4 =	simm.s32 $_size__tile_overlayer_lowered;
	s5 =	simm.s32 $_tile_overlayer_lowered  }
0x99: {  	s21 =	simm.s32 $0x1BFF;
	s20 =	sshll.u32 s5, $0x1;
	s2 =	sadd.s32 s3, s18  }
0x9a: {  	s6 =	simm.s32 $0x0;
	s19 =	sshll.u32 s4, $0x1;
	s4 =	sadd.s32 s20, s2  }
0x9b: {  	[timem:s6], [sflag:s21] =	dma.local [hbm:s4], s19  }
0x9c: {  	_ =	swait.ge [sflag:s21], s19  }
0x9d: {  	s3 =	ssub.s32 $0x0, s19;
	[sflag:s21] =	ssyncset.done $0x0  }
0x9e: {  	[sflag:s21] =	ssyncadd.s32 s3;
	_ =	sdelay $0x1  }
0x9f: {  	s22 =	simm.s32 $0x1B8B  }
0xa0: {  	_ =	swait.ge [sflag:s22], $0x1  }
0xa1: {  	[sflag:s22] =	ssyncset.done $0x0  }
0xa2: {  	s23 =	simm.s32 $0x1B8E;
	[sflag:s22] =	ssyncadd.s32 $0xFFFFFFFF  }
0xa3: {  	s24 =	simm.s32 $execute0_lowered;
	[smem:$0x3FD2] =	sst s23  }
0xa4: {  	s3 =	sshll.u32 s24, $0x1;
	_ =	strace $0x80000046;
	[dreg:$0x1] =	wrdreg $0xFFFFFFFF  }
0xa5: {  	s25 =	simm.s32 $_size_execute0_lowered;
	s2 =	sadd.s32 s2, s3;
	[dreg:$0x0] =	wrdreg $0x0  }
0xa6: {  	s3 =	sshll.u32 s25, $0x1;
	[dreg:$0x2] =	wrdreg s2  }
0xa7: {  	[dreg:$0x3] =	wrdreg s3  }
0xa8: {  	[dreg:$0x4] =	wrdreg $0xC0  }
0xa9: {  	_ =	task [dreg:s6], $0x5FFFF  }
0xaa: {  	[dreg:$0x1] =	wrdreg $0xFFFFFFFF  }
0xab: {  	[dreg:$0x0] =	wrdreg $0x60  }
0xac: {  	[dreg:$0x2] =	wrdreg s0  }
0xad: {  	[dreg:$0x3] =	wrdreg s17  }
0xae: {  	[dreg:$0x4] =	wrdreg $0x9  }
0xaf: {  	_ =	task.clear_ibuf [dreg:s6], $0x5FFFF;
	_ =	strace $0x90000046  }
0xb0: {  	s26 =	simm.s32 $0x9;
	_ =	strace $0x80000048  }
0xb1: {  	_ =	swait.ge [sflag:s26], $0x1  }
0xb2: {  	[sflag:s26] =	ssyncadd.s32 $0xFFFFFFFF  }
0xb3: {  	_ =	strace $0x90000048  }
0xb4: {  	_ =	sfence  }
0xb5: {  	s28 =	sld [smem:$0x0];
	_ =	sdelay $0x1  }
0xb6: {  	s29 =	srdreg.scid  }
0xb7: {  	s30 =	sshll.u32 s29, $0xD;
	s31 =	sshrl.u32 s29, $0x2  }
0xb8: {  	s1 =	sand.u32 $0x1, s29;
	s2 =	sand.u32 $0x4000, s30;
	s0 =	sadd.s32 s31, s28  }
0xb9: {  	s1 =	sor.u32 s2, s1;
	s0 =	sshll.u32 s0, $0x11  }
0xba: {  	s0 =	sor.u32 s0, s1  }
0xbb: {  	s0 =	sadd.s32 $0x8F2B, s0  }
0xbc: {  	[sflag:s0] =	ssyncadd.remote.s32 $0x1  }
0xbd: {  	_ =	sfence.sel $0xFFFF  }
0xbe: {  	[dreg:$0x0] =	wrdreg $0xFFFFFFFF;
	(pc) =	sbr.abs _section_cstart, $3  }
0xbf: {  	[dreg:$0x1] =	wrdreg $0xFFFFFFFF  }
0xc0: {  	_ =	task.clear_ibuf [dreg:s6], $0x2FFFF;
	_ =	strace $0x9FFFFFFF  }
0xc1: {  	(tm) =	ssettm $0x7FFFFFFF  }
tec
execute0_lowered:
.L_overlay_start_1:
0x0: {  	(tag) =	ssettag $0x1  }
0x1: {  	s4 =	rddreg [dreg:$0x0]  }
0x2: {  	s2 =	rddreg [dreg:$0x1]  }
0x3: {  	s0 =	rddreg [dreg:$0x2];
	s5 =	simm.s32 $0x0;
	s1 =	stileid.u32  }
0x4: {  	[smem:$0x7FF] =	sst s5;
	s3 =	sshll.u32 s1, $0x7  }
0x5: {  	s31 =	simm.s32 $0x1;
	_ =	strace $0x80000047;
	s4 =	sadd.s32 s4, s3  }
0x6: {  	[tilespmem:s5], [sflag:$0x1] =	stream.linear.gather [hbm4b:s4+s5], $0x400, $0x38;
	[tilespmem:$0x400] =	vst v63  }
0x7: {  	_ =	swait.ge [sflag:s31], $0x400  }
0x8: {  	[sflag:s31] =	ssyncset.done $0x0  }
0x9: {  	s4 =	simm.s32 $0x20;
	[sflag:s31] =	ssyncadd.s32 $0xFFFFFC00  }
0xa: {  	v1 =	vld [tilespmem:s4+$0x0]  }
0xb: {  	v2 =	vld [tilespmem:s4+$0xFFFFFFE0]  }
0xc: {  	v3 =	vld [tilespmem:s4+$0xFFFFFFF0]  }
0xd: {  	v0 =	vld [tilespmem:s4+$0x10];
	_ =	sdelay $0x1  }
0xe: {  	v4 =	vadd.s32 $0xFFFFFFFF, v1;
	v5 =	vsub.s32 $0x5, v1  }
0xf: {  	v1 =	vadd.s32 $0xFFFFFFFF, v2;
	v2 =	vsub.s32 $0x5, v2;
	vm0 =	vlt.u32 v4, $0x4  }
0x10: {  	vm1 =	vlt.u32 v1, $0x4;
	v1 =	vsub.s32 $0x5, v3;
	v4 =	vnsel vm0, $0xFFFFFFFF, v5  }
0x11: {  	s6 =	simm.s32 $0x60;
	s5 =	simm.s32 $0x0;
	v3 =	vadd.s32 $0xFFFFFFFF, v3;
	v2 =	vnsel vm1, $0xFFFFFFFF, v2;
	[tilespmem:s4+$0x0] =	vst v4;
	v4 =	vadd.s32 $0xFFFFFFFF, v0  }
.LBB2_1:
0x12: {  	v5 =	vld [tilespmem:s6+$0x0];
	s5 =	sadd.s32 $0x4, s5;
	[tilespmem:s4+$0xFFFFFFE0] =	vst v2;
	vm0 =	vlt.u32 v3, $0x4;
	vm1 =	vlt.u32 v4, $0x4;
	v0 =	vsub.s32 $0x5, v0  }
0x13: {  	v2 =	vld [tilespmem:s6+$0xFFFFFFE0];
	p0 =	slt.u32 s5, $0x3C;
	v1 =	vnsel vm0, $0xFFFFFFFF, v1;
	v0 =	vnsel vm1, $0xFFFFFFFF, v0  }
0x14: {  	v3 =	vld [tilespmem:s6+$0xFFFFFFF0];
	[tilespmem:s4+$0x10] =	vst v0  }
0x15: {  	v0 =	vld [tilespmem:s6+$0x10];
	[tilespmem:s4+$0xFFFFFFF0] =	vst v1;
	s4 =	smov.u32 s6  }
.Ltmp0:
0x16: {  	(pc) =	sbr.rel @p0 .LBB2_1-.Ltmp0, $4  }
0x17: {  	v1 =	vadd.s32 $0xFFFFFFFF, v5;
	v4 =	vsub.s32 $0x5, v5  }
0x18: {  	v5 =	vadd.s32 $0xFFFFFFFF, v2;
	v2 =	vsub.s32 $0x5, v2;
	vm0 =	vlt.u32 v1, $0x4  }
0x19: {  	vm1 =	vlt.u32 v5, $0x4;
	v1 =	vsub.s32 $0x5, v3;
	v4 =	vnsel vm0, $0xFFFFFFFF, v4  }
0x1a: {  	s6 =	sadd.s32 $0x40, s6;
	v3 =	vadd.s32 $0xFFFFFFFF, v3;
	v2 =	vnsel vm1, $0xFFFFFFFF, v2;
	[tilespmem:s4+$0x0] =	vst v4;
	v4 =	vadd.s32 $0xFFFFFFFF, v0  }
0x1b: {  	vm0 =	vlt.u32 v4, $0x4;
	v0 =	vsub.s32 $0x5, v0  }
0x1c: {  	[tilespmem:s4+$0xFFFFFFE0] =	vst v2;
	vm1 =	vlt.u32 v3, $0x4;
	v0 =	vnsel vm0, $0xFFFFFFFF, v0  }
0x1d: {  	v1 =	vnsel vm1, $0xFFFFFFFF, v1;
	[tilespmem:s4+$0x10] =	vst v0  }
0x1e: {  	s2 =	sadd.s32 s2, s3;
	s30 =	simm.s32 $0x0;
	s31 =	simm.s32 $0x1;
	[tilespmem:s4+$0xFFFFFFF0] =	vst v1  }
0x1f: {  	[hbm4b:s2+s30] =	stream.linear.scatter [tilespmem:s30], [sflag:$0x1], $0x400, $0x38;
	[tilespmem:$0x400] =	vst v63  }
0x20: {  	_ =	swait.ge [sflag:s31], $0x400  }
0x21: {  	[sflag:s31] =	ssyncset.done $0x0  }
0x22: {  	[sflag:s31] =	ssyncadd.s32 $0xFFFFFC00  }
0x23: {  	_ =	sfence.sel $0x180000  }
0x24: {  	[bflag:$0x0] =	sbarrier.arrive $0xFFFF  }
0x25: {  	p0 =	sne.s32 s1, $0x0;
	_ =	strace $0x90000047  }
0x26: {  	s0 =	sadd.s32 @!p0 $0x100000, s0;
	[bflag:$0x2] =	sbarrier.arrive $0xFFFF  }
0x27: {  	[sflag:s0] =	ssyncadd.tile.s32 @!p0 $0x1;
	_ =	shalt  }
.Lfunc_end2:
_tile_overlayer_lowered:
.L_overlay_start_2:
0x28: {  	(tag) =	ssettag $0x2  }
0x29: {  	s0 =	rddreg [dreg:$0x0];
	s2 =	stileid.u32  }
0x2a: {  	s1 =	rddreg [dreg:$0x1];
	p0 =	sne.s32 s2, $0x0  }
0x2b: {  	s3 =	rddreg [dreg:$0x2];
	[bflag:$0x3] =	sbarrier.arrive $0xFFFF;
	s2 =	simm.s32 @!p0 $0x1C01  }
0x2c: {  	[timem:s3], [sflag:s2] =	dma.local @!p0 [hbm:s0], s1  }
0x2d: {  	s0 =	simm.s32 @!p0 $0x1  }
0x2e: {  	_ =	swait.ge @!p0 [sflag:s0], s1  }
0x2f: {  	s1 =	ssub.s32 @!p0 $0x0, s1;
	[sflag:s0] =	ssyncset.done @!p0 $0x0  }
0x30: {  	[sflag:s0] =	ssyncadd.s32 @!p0 s1  }
0x31: {  	[bflag:$0x3] =	sbarrier.arrive $0xFFFF  }
0x32: {  	_ =	shalt  }

</sc_bundles>
